<compile_context>
chip_gen: v7x
topology: tpu7x:2x2x1
jax: 0.10.2.dev20260603
libtpu: 0.0.44.dev20260713+nightly
codegen_flags: <defaults>
</compile_context>

<pallas_src>
import functools

import jax
import jax.numpy as jnp
from jax import lax
from jax.experimental import pallas as pl
from jax.experimental.pallas import tpu as pltpu
from jax.experimental.pallas import tpu_sc as plsc

_NUM_CORES = 2
_NUM_SUBCORES = 16
_NSHIFT = 16
_PLANE = 4096
_BPW = 64
_WIN = 16 * (_BPW - 1) + 2048


@functools.partial(jax.jit, static_argnums=(1, 2))
def _expand_bias(rev16, H, S):
    mesh = plsc.VectorSubcoreMesh(core_axis_name="c", subcore_axis_name="s")

    @functools.partial(
        pl.kernel,
        out_type=jax.ShapeDtypeStruct((H, S, S), jnp.float32),
        mesh=mesh,
        scratch_types=[
            pltpu.VMEM((H, _WIN), jnp.float32),
            pltpu.SemaphoreType.DMA,
            pltpu.SemaphoreType.DMA,
        ],
        compiler_params=pltpu.CompilerParams(use_tc_tiling_on_sc=False),
    )
    def body(rev_hbm, out_hbm, buf, gsem, ssem):
        wid = lax.axis_index("s") * _NUM_CORES + lax.axis_index("c")
        rho = wid % _NSHIFT
        half = wid // _NSHIFT
        b0 = half * _BPW
        s = (_NSHIFT - 1) - rho
        qmin = (S // _NSHIFT) - b0 - _BPW

        pltpu.make_async_copy(
            rev_hbm.at[s, :, pl.ds(qmin * _NSHIFT, _WIN)], buf, gsem
        ).start()
        pltpu.make_async_copy(
            rev_hbm.at[0, :, pl.ds(0, _WIN)], buf, gsem
        ).wait()

        def issue(t, carry):
            i = rho + _NSHIFT * (b0 + t)
            pltpu.make_async_copy(
                buf.at[:, pl.ds(_NSHIFT * (_BPW - 1 - t), S)],
                out_hbm.at[:, i, :],
                ssem,
            ).start()
            return carry

        lax.fori_loop(0, _BPW, issue, 0)
        pltpu.make_async_copy(
            out_hbm.at[:, pl.ds(0, _BPW), :],
            out_hbm.at[:, pl.ds(0, _BPW), :],
            ssem,
        ).wait()

    return body(rev16)


def kernel(seq_len, table):
    del seq_len
    R, H = table.shape
    S = (R + 1) // 2
    rev = table[::-1, :].T
    rev_pad = jnp.pad(rev, ((0, 0), (0, _PLANE + _NSHIFT - 1 - rev.shape[1])))
    rev16 = jnp.stack([rev_pad[:, s:s + _PLANE] for s in range(_NSHIFT)])
    rows = _expand_bias(rev16, H, S)
    return rows.reshape(1, H, S, S)

# --- scband reference (transcript-rebuilt; emitter-appended) ---
"""Pipeline reference for scband-relative-position-bias-30717606101275 (READ-ONLY COPY).

The authoritative reference and input builder live on the scoring server;
editing this copy changes nothing except your own understanding.
"""

import jax, jax.numpy as jnp
import numpy as np

MAX_SEQ_LEN = 2048
NUM_HEADS = 16

def setup_inputs(seed: int = 0) -> dict:
    key = jax.random.key(seed)
    num_relative_positions = 2 * MAX_SEQ_LEN - 1
    # xavier_uniform for an embedding of shape (num_relative_positions, num_heads)
    fan_in, fan_out = num_relative_positions, NUM_HEADS
    limit = float(np.sqrt(6.0 / (fan_in + fan_out)))
    table = jax.random.uniform(key, (num_relative_positions, NUM_HEADS),
                               minval=-limit, maxval=limit, dtype=jnp.float32)
    return {"seq_len": 2048, "table": table}

def reference(seq_len, table):
    static_seq_len = (table.shape[0] + 1) // 2
    positions = jnp.arange(static_seq_len)
    relative_positions = positions[:, None] - positions[None, :]
    relative_positions = relative_positions + seq_len - 1
    # embedding lookup: gather rows of `table` by relative position index
    bias = jnp.take(table, relative_positions, axis=0)  # (S, S, H)
    bias = jnp.transpose(bias, (2, 0, 1))[None, ...]    # (1, H, S, S)
    return bias

if __name__ == "__main__":
    import jax
    _d = setup_inputs()
    print(jax.jit(kernel)(*tuple(_d.values())))

</pallas_src>

<mosaic_0001>
#map = affine_map<(d0, d1) -> (0, 0, 0)>
module attributes {stable_mosaic.version = 14 : i64} {
  func.func @body(%arg0: i32, %arg1: i32, %arg2: memref<16x16x4096xf32, #tpu.memory_space<hbm>>, %arg3: memref<16x2048x2048xf32, #tpu.memory_space<hbm>>, %arg4: memref<16x3056xf32, #tpu.memory_space<vmem>>, %arg5: memref<!tpu.dma_semaphore, #tpu.memory_space<semaphore_mem>>, %arg6: memref<!tpu.dma_semaphore, #tpu.memory_space<semaphore_mem>>) attributes {dimension_semantics = [#tpu.dimension_semantics<core_parallel>, #tpu.dimension_semantics<subcore_parallel>], iteration_bounds = array<i64: 2, 16>, scalar_prefetch = 0 : i64, scratch_operands = 3 : i64, tpu.core_type = #tpu.core_type<sc_vector_subcore>, window_params = [{transform_indices = #map}, {transform_indices = #map}]} {
    %mul3A = arith.constant 2 : i32
    %mul3A_0 = arith.muli %arg1, %mul3A : i32
    %add3A = arith.addi %mul3A_0, %arg0 : i32
    %jit3A = arith.constant 16 : i32
    %eq3A = arith.constant 0 : i32
    %eq3A_1 = arith.cmpi eq, %jit3A, %eq3A : i32
    %jit3A_2 = arith.constant 1 : i32
    %select_n3A = arith.select %eq3A_1, %jit3A_2, %jit3A : i32
    %rem3A = arith.remsi %add3A, %select_n3A : i32
    %ne3A = arith.constant 0 : i32
    %ne3A_3 = arith.cmpi ne, %rem3A, %ne3A : i32
    %lt3A = arith.constant 0 : i32
    %lt3A_4 = arith.cmpi slt, %rem3A, %lt3A : i32
    %lt3A_5 = arith.constant 0 : i32
    %lt3A_6 = arith.cmpi slt, %select_n3A, %lt3A_5 : i32
    %ne3A_7 = arith.xori %lt3A_4, %lt3A_6 : i1
    %and3A = arith.andi %ne3A_7, %ne3A_3 : i1
    %add3A_8 = arith.addi %rem3A, %select_n3A : i32
    %select_n3A_9 = arith.select %and3A, %add3A_8, %rem3A : i32
    %jit3A_10 = arith.constant 16 : i32
    %div3A = arith.divsi %add3A, %jit3A_10 : i32
    %sign3A = arith.constant 0 : i32
    %sign3A_11 = arith.cmpi sgt, %add3A, %sign3A : i32
    %sign3A_12 = arith.extui %sign3A_11 : i1 to i32
    %sign3A_13 = arith.constant 0 : i32
    %sign3A_14 = arith.cmpi slt, %add3A, %sign3A_13 : i32
    %sign3A_15 = arith.extui %sign3A_14 : i1 to i32
    %sign3A_16 = arith.subi %sign3A_12, %sign3A_15 : i32
    %sign3A_17 = arith.constant 0 : i32
    %sign3A_18 = arith.cmpi sgt, %jit3A_10, %sign3A_17 : i32
    %sign3A_19 = arith.extui %sign3A_18 : i1 to i32
    %sign3A_20 = arith.constant 0 : i32
    %sign3A_21 = arith.cmpi slt, %jit3A_10, %sign3A_20 : i32
    %sign3A_22 = arith.extui %sign3A_21 : i1 to i32
    %sign3A_23 = arith.subi %sign3A_19, %sign3A_22 : i32
    %ne3A_24 = arith.cmpi ne, %sign3A_16, %sign3A_23 : i32
    %rem3A_25 = arith.remsi %add3A, %jit3A_10 : i32
    %ne3A_26 = arith.constant 0 : i32
    %ne3A_27 = arith.cmpi ne, %rem3A_25, %ne3A_26 : i32
    %and3A_28 = arith.andi %ne3A_24, %ne3A_27 : i1
    %sub3A = arith.constant 1 : i32
    %sub3A_29 = arith.subi %div3A, %sub3A : i32
    %select_n3A_30 = arith.select %and3A_28, %sub3A_29, %div3A : i32
    %mul3A_31 = arith.constant 64 : i32
    %mul3A_32 = arith.muli %select_n3A_30, %mul3A_31 : i32
    %sub3A_33 = arith.constant 15 : i32
    %sub3A_34 = arith.subi %sub3A_33, %select_n3A_9 : i32
    %sub3A_35 = arith.constant 128 : i32
    %sub3A_36 = arith.subi %sub3A_35, %mul3A_32 : i32
    %sub3A_37 = arith.constant 64 : i32
    %sub3A_38 = arith.subi %sub3A_36, %sub3A_37 : i32
    %mul3A_39 = arith.constant 16 : i32
    %mul3A_40 = arith.muli %sub3A_38, %mul3A_39 : i32
    %dma_start3A = arith.constant 0 : i32
    %dma_start3A_41 = tpu.memref_slice %arg2[%sub3A_34, %dma_start3A, %mul3A_40] : memref<16x16x4096xf32, #tpu.memory_space<hbm>> -> memref<1x16x3056xf32, #tpu.memory_space<hbm>>
    %dma_start3A_42 = tpu.memref_squeeze %dma_start3A_41 : memref<1x16x3056xf32, #tpu.memory_space<hbm>> -> memref<16x3056xf32, #tpu.memory_space<hbm>>
    %dma_start3A_43 = arith.constant 0 : i32
    %dma_start3A_44 = tpu.memref_slice %arg2[%sub3A_34, %dma_start3A_43, %mul3A_40] : memref<16x16x4096xf32, #tpu.memory_space<hbm>> -> memref<1x16x3056xf32, #tpu.memory_space<hbm>>
    %dma_start3A_45 = tpu.memref_squeeze %dma_start3A_44 : memref<1x16x3056xf32, #tpu.memory_space<hbm>> -> memref<16x3056xf32, #tpu.memory_space<hbm>>
    tpu.enqueue_dma source(%dma_start3A_45 : memref<16x3056xf32, #tpu.memory_space<hbm>>) target(%arg4 : memref<16x3056xf32, #tpu.memory_space<vmem>>) target_semaphore(%arg5 : memref<!tpu.dma_semaphore, #tpu.memory_space<semaphore_mem>>)
    %dma_wait3A = arith.constant 0 : i32
    %dma_wait3A_46 = arith.constant 0 : i32
    %dma_wait3A_47 = arith.constant 0 : i32
    %dma_wait3A_48 = tpu.memref_slice %arg2[%dma_wait3A, %dma_wait3A_46, %dma_wait3A_47] : memref<16x16x4096xf32, #tpu.memory_space<hbm>> -> memref<1x16x3056xf32, #tpu.memory_space<hbm>>
    %dma_wait3A_49 = tpu.memref_squeeze %dma_wait3A_48 : memref<1x16x3056xf32, #tpu.memory_space<hbm>> -> memref<16x3056xf32, #tpu.memory_space<hbm>>
    %dma_wait3A_50 = arith.constant 0 : i32
    %dma_wait3A_51 = arith.constant 0 : i32
    %dma_wait3A_52 = tpu.memref_slice %arg2[%dma_wait3A, %dma_wait3A_50, %dma_wait3A_51] : memref<16x16x4096xf32, #tpu.memory_space<hbm>> -> memref<1x16x3056xf32, #tpu.memory_space<hbm>>
    %dma_wait3A_53 = tpu.memref_squeeze %dma_wait3A_52 : memref<1x16x3056xf32, #tpu.memory_space<hbm>> -> memref<16x3056xf32, #tpu.memory_space<hbm>>
    tpu.wait_dma2 semaphore(%arg5 : memref<!tpu.dma_semaphore, #tpu.memory_space<semaphore_mem>>) src(%dma_wait3A_53 : memref<16x3056xf32, #tpu.memory_space<hbm>>) dst(%arg4 : memref<16x3056xf32, #tpu.memory_space<vmem>>)
    %scan3A = arith.constant 0 : i32
    %scan3A_54 = arith.constant 0 : i32
    %scan3A_55 = arith.constant 64 : i32
    %scan3A_56 = arith.addi %scan3A_54, %scan3A_55 : i32
    %scan3A_57 = arith.constant 1 : i32
    scf.for %scan3A_67 = %scan3A_54 to %scan3A_56 step %scan3A_57  : i32 {
      %add3A_68 = arith.addi %mul3A_32, %scan3A_67 : i32
      %mul3A_69 = arith.constant 16 : i32
      %mul3A_70 = arith.muli %mul3A_69, %add3A_68 : i32
      %add3A_71 = arith.addi %select_n3A_9, %mul3A_70 : i32
      %sub3A_72 = arith.constant 63 : i32
      %sub3A_73 = arith.subi %sub3A_72, %scan3A_67 : i32
      %mul3A_74 = arith.constant 16 : i32
      %mul3A_75 = arith.muli %mul3A_74, %sub3A_73 : i32
      %dma_start3A_76 = arith.constant 0 : i32
      %dma_start3A_77 = tpu.memref_slice %arg4[%dma_start3A_76, %mul3A_75] : memref<16x3056xf32, #tpu.memory_space<vmem>> -> memref<16x2048xf32, #tpu.memory_space<vmem>>
      %dma_start3A_78 = arith.constant 0 : i32
      %dma_start3A_79 = arith.constant 0 : i32
      %dma_start3A_80 = tpu.memref_slice %arg3[%dma_start3A_78, %add3A_71, %dma_start3A_79] : memref<16x2048x2048xf32, #tpu.memory_space<hbm>> -> memref<16x1x2048xf32, #tpu.memory_space<hbm>>
      %dma_start3A_81 = tpu.memref_squeeze %dma_start3A_80 : memref<16x1x2048xf32, #tpu.memory_space<hbm>> -> memref<16x2048xf32, #tpu.memory_space<hbm>>
      %dma_start3A_82 = arith.constant 0 : i32
      %dma_start3A_83 = arith.constant 0 : i32
      %dma_start3A_84 = tpu.memref_slice %arg3[%dma_start3A_82, %add3A_71, %dma_start3A_83] : memref<16x2048x2048xf32, #tpu.memory_space<hbm>> -> memref<16x1x2048xf32, #tpu.memory_space<hbm>>
      %dma_start3A_85 = tpu.memref_squeeze %dma_start3A_84 : memref<16x1x2048xf32, #tpu.memory_space<hbm>> -> memref<16x2048xf32, #tpu.memory_space<hbm>>
      %dma_start3A_86 = arith.constant 0 : i32
      %dma_start3A_87 = tpu.memref_slice %arg4[%dma_start3A_86, %mul3A_75] : memref<16x3056xf32, #tpu.memory_space<vmem>> -> memref<16x2048xf32, #tpu.memory_space<vmem>>
      tpu.enqueue_dma source(%dma_start3A_87 : memref<16x2048xf32, #tpu.memory_space<vmem>>) target(%dma_start3A_85 : memref<16x2048xf32, #tpu.memory_space<hbm>>) target_semaphore(%arg6 : memref<!tpu.dma_semaphore, #tpu.memory_space<semaphore_mem>>)
    }
    %scan3A_58 = arith.constant 64 : i32
    %dma_wait3A_59 = arith.constant 0 : i32
    %dma_wait3A_60 = arith.constant 0 : i32
    %dma_wait3A_61 = arith.constant 0 : i32
    %dma_wait3A_62 = tpu.memref_slice %arg3[%dma_wait3A_59, %dma_wait3A_60, %dma_wait3A_61] : memref<16x2048x2048xf32, #tpu.memory_space<hbm>> -> memref<16x64x2048xf32, #tpu.memory_space<hbm>>
    %dma_wait3A_63 = arith.constant 0 : i32
    %dma_wait3A_64 = arith.constant 0 : i32
    %dma_wait3A_65 = arith.constant 0 : i32
    %dma_wait3A_66 = tpu.memref_slice %arg3[%dma_wait3A_63, %dma_wait3A_64, %dma_wait3A_65] : memref<16x2048x2048xf32, #tpu.memory_space<hbm>> -> memref<16x64x2048xf32, #tpu.memory_space<hbm>>
    tpu.wait_dma2 semaphore(%arg6 : memref<!tpu.dma_semaphore, #tpu.memory_space<semaphore_mem>>) src(%dma_wait3A_66 : memref<16x64x2048xf32, #tpu.memory_space<hbm>>) dst(%dma_wait3A_62 : memref<16x64x2048xf32, #tpu.memory_space<hbm>>)
    return
  }
}

</mosaic_0001>

<sc_bundles>
// kernel: _expand_bias.3.cloned.1.call-start
scs
__scs_entry_jumppad:
0x0: {  	(pc) =	sbr.rel $0x88, $3  }
0x1: {  	(tag) =	ssettag $0x0;
	lr =	simm.s32 $0x1  }
0x2: {  	[smem:$0x3FA0] =	sst lr;
	_ =	strace $0xD0000000  }
0x3: {  	_ = 	snop  }
0x4: {  	_ = 	snop  }
0x5: {  	_ = 	snop  }
0x6: {  	_ = 	snop  }
0x7: {  	_ = 	snop  }
__scs_overlays_trampoline_lowered:
0x8: {  	[smem:$0x3FAF] =	sst s0  }
0x9: {  	[smem:$0x3FB0] =	sst s1  }
0xa: {  	[smem:$0x3FB1] =	sst s2  }
0xb: {  	[smem:$0x3FB2] =	sst s3  }
0xc: {  	[smem:$0x3FB3] =	sst s4  }
0xd: {  	[smem:$0x3FB4] =	sst s5  }
0xe: {  	[smem:$0x3FB5] =	sst s6  }
0xf: {  	[smem:$0x3FB6] =	sst s7  }
0x10: {  	[smem:$0x3FB7] =	sst s8  }
0x11: {  	[smem:$0x3FB8] =	sst s9;
	s0 =	simm.s32 @!p0 $0x0  }
0x12: {  	s1 =	sld [smem:$0x3F9E];
	s0 =	simm.s32 @p0 $0x1  }
0x13: {  	[smem:$0x3FB9] =	sst s0;
	s0 =	simm.s32 @!p1 $0x0  }
0x14: {  	s2 =	sld [smem:$0x3F9D];
	s0 =	simm.s32 @p1 $0x1  }
0x15: {  	[smem:$0x3FBA] =	sst s0;
	s0 =	simm.s32 @!p2 $0x0  }
0x16: {  	s3 =	sld [smem:$0x3FDB];
	s0 =	simm.s32 @p2 $0x1  }
0x17: {  	s4 =	simm.s32 $0x1BF5;
	[smem:$0x3FBC] =	sst s0  }
0x18: {  	s0 =	sld [smem:$0x3F9F];
	_ =	swait.ge [sflag:s4], $0x0  }
0x19: {  	s7 =	sld [smem:$0x3FA0]  }
0x1a: {  	s8 =	sadd.s32 $0xFFFFE003, lr  }
0x1b: {  	s9 =	sadd.s32 $0xFFFFFEF7, lr;
	s5 =	simm.s32 $0xFFFFFFFF;
	p2 =	slt.u32 s8, $0xFFFFF086  }
0x1c: {  	p1 =	slt.u32 s9, $0xF7A;
	s5 =	simm.s32 @!p2 $0x0  }
0x1d: {  	s5 =	simm.s32 @p1 $0x1;
	p0 =	seq.s32 s7, s2  }
0x1e: {  	s7 =	smul.u32 @!p0 $0xF7A, s2;
	p2 =	seq.s32 @!p0 s5, $0x0  }
0x1f: {  	s9 =	smul.u32 $0xF7A, s1;
	s8 =	simm.s32 @!p0 $0x1BF5;
	p2 =	por !p2, p0  }
0x20: {  	[sflag:s8] =	ssyncset.s32 @!p0 $0xFFFFF086;
	s6 =	sadd.s32 @!p0 s3, s7;
	s7 =	simm.s32 @!p0 $0x108  }
0x21: {  	s3 =	sadd.s32 s3, s9;
	s6 =	sadd.s32 @!p0 $0x88, s6;
	s7 =	simm.s32 @p2 $0x1082  }
0x22: {  	[simem:s7], [sflag:s8] =	dma.local @!p0 [hbm:s6], $0xF7A  }
0x23: {  	s9 =	sor.u32 $0xD0000000, s2;
	s6 =	simm.s32 $0x108;
	_ =	swait.ge @!p0 [sflag:s8], $0x0  }
0x24: {  	s3 =	sadd.s32 $0x88, s3;
	s6 =	simm.s32 @!p1 $0x1082;
	[sflag:s4] =	ssyncset.s32 $0xFFFFF086  }
0x25: {  	[simem:s6], [sflag:s4] =	dma.local [hbm:s3], $0xF7A  }
0x26: {  	[smem:$0x3FA0] =	sst s1;
	(tag) =	ssettag s2;
	_ =	strace s9  }
0x27: {  	s1 =	sld [smem:$0x3FB0]  }
0x28: {  	s2 =	sld [smem:$0x3FB1]  }
0x29: {  	s4 =	sld [smem:$0x3FB3]  }
0x2a: {  	p0 =	seq.s32 s5, $0x0;
	s5 =	sld [smem:$0x3FB4]  }
0x2b: {  	s6 =	sld [smem:$0x3FB5]  }
0x2c: {  	s7 =	sld [smem:$0x3FB6]  }
0x2d: {  	s3 =	simm.s32 $0x108;
	s8 =	sld [smem:$0x3FB7]  }
0x2e: {  	s3 =	simm.s32 @!p0 $0x1082;
	s9 =	sld [smem:$0x3FB8]  }
0x2f: {  	lr =	sadd.s32 s0, s3;
	s0 =	sld [smem:$0x3FAF]  }
0x30: {  	s3 =	sld [smem:$0x3FB2]  }
0x31: {  	[smem:$0x3FBB] =	sst s10  }
0x32: {  	s10 =	sld [smem:$0x3FB9];
	_ =	sdelay $0x3  }
0x33: {  	p0 =	seq.s32 s10, $0x1;
	s10 =	sld [smem:$0x3FBB];
	_ =	sdelay $0x3  }
0x34: {  	[smem:$0x3FBB] =	sst s10  }
0x35: {  	s10 =	sld [smem:$0x3FBA];
	_ =	sdelay $0x3  }
0x36: {  	p1 =	seq.s32 s10, $0x1;
	s10 =	sld [smem:$0x3FBB];
	_ =	sdelay $0x3  }
0x37: {  	[smem:$0x3FBB] =	sst s10  }
0x38: {  	s10 =	sld [smem:$0x3FBC]  }
0x39: {  	_ = 	snop;
	(pc) =	sbr.ind lr, $3  }
0x3a: {  	_ = 	snop  }
0x3b: {  	_ = 	snop  }
0x3c: {  	p2 =	seq.s32 s10, $0x1;
	s10 =	sld [smem:$0x3FBB]  }
0x3d: {  	_ =	shalt  }
0x3e: {  	_ =	shalt  }
0x3f: {  	_ =	shalt  }
0x40: {  	_ =	shalt  }
0x41: {  	_ =	shalt  }
0x42: {  	_ =	shalt  }
0x43: {  	_ =	shalt  }
0x44: {  	_ =	shalt  }
0x45: {  	_ =	shalt  }
0x46: {  	_ =	shalt  }
0x47: {  	_ =	shalt  }
0x48: {  	_ =	shalt  }
0x49: {  	_ =	shalt  }
0x4a: {  	_ =	shalt  }
0x4b: {  	_ =	shalt  }
0x4c: {  	_ =	shalt  }
0x4d: {  	_ =	shalt  }
0x4e: {  	_ =	shalt  }
0x4f: {  	_ =	shalt  }
0x50: {  	_ =	shalt  }
0x51: {  	_ =	shalt  }
0x52: {  	_ =	shalt  }
0x53: {  	_ =	shalt  }
0x54: {  	_ =	shalt  }
0x55: {  	_ =	shalt  }
0x56: {  	_ =	shalt  }
0x57: {  	_ =	shalt  }
0x58: {  	_ =	shalt  }
0x59: {  	_ =	shalt  }
0x5a: {  	_ =	shalt  }
0x5b: {  	_ =	shalt  }
0x5c: {  	_ =	shalt  }
0x5d: {  	_ =	shalt  }
0x5e: {  	_ =	shalt  }
0x5f: {  	_ =	shalt  }
0x60: {  	_ =	shalt  }
0x61: {  	_ =	shalt  }
0x62: {  	_ =	shalt  }
0x63: {  	_ =	shalt  }
0x64: {  	_ =	shalt  }
0x65: {  	_ =	shalt  }
0x66: {  	_ =	shalt  }
0x67: {  	_ =	shalt  }
0x68: {  	_ =	shalt  }
0x69: {  	_ =	shalt  }
0x6a: {  	_ =	shalt  }
0x6b: {  	_ =	shalt  }
0x6c: {  	_ =	shalt  }
0x6d: {  	_ =	shalt  }
0x6e: {  	_ =	shalt  }
0x6f: {  	_ =	shalt  }
0x70: {  	_ =	shalt  }
0x71: {  	_ =	shalt  }
0x72: {  	_ =	shalt  }
0x73: {  	_ =	shalt  }
0x74: {  	_ =	shalt  }
0x75: {  	_ =	shalt  }
0x76: {  	_ =	shalt  }
0x77: {  	_ =	shalt  }
0x78: {  	_ =	shalt  }
0x79: {  	_ =	shalt  }
0x7a: {  	_ =	shalt  }
0x7b: {  	_ =	shalt  }
0x7c: {  	_ =	shalt  }
0x7d: {  	_ =	shalt  }
0x7e: {  	_ =	shalt  }
0x7f: {  	_ =	shalt  }
0x80: {  	_ =	shalt  }
0x81: {  	_ =	shalt  }
0x82: {  	_ =	shalt  }
0x83: {  	_ =	shalt  }
0x84: {  	_ =	shalt  }
0x85: {  	_ =	shalt  }
0x86: {  	_ =	shalt  }
0x87: {  	_ =	shalt  }
.Lfunc_end0:
.L_simem_size_0:
called_computation_lowered:
.L_overlay_start_0:
0x88: {  	s2 =	sld [smem:$0x3FD9]  }
0x89: {  	s3 =	sld [smem:$0x3FFE];
	_ =	sdelay $0x1  }
0x8a: {  	s1 =	srdreg.scid  }
0x8b: {  	s0 =	sand.u32 $0x1, s1  }
0x8c: {  	s17 =	sshll.u32 s0, $0xA;
	s2 =	sadd.s32 s3, s2  }
0x8d: {  	s2 =	sadd.s32 s2, s17  }
0x8e: {  	[smem:$0x3FC7] =	sst s2  }
0x8f: {  	_ = 	snop  }
0x90: {  	s2 =	sld [smem:$0x3FD0];
	(tm) =	ssettm $0x1  }
0x91: {  	s18 =	sld [smem:$0x3FFB];
	_ =	sdelay $0x3  }
0x92: {  	_ =	strace s18  }
0x93: {  	s3 =	sld [smem:$0x3FFC];
	_ =	sdelay $0x3  }
0x94: {  	_ =	strace s3  }
0x95: {  	s3 =	sld [smem:$0x3FFD];
	_ =	sdelay $0x3  }
0x96: {  	_ =	strace s3  }
0x97: {  	_ =	strace $0x8FFFFFFF  }
0x98: {  	s19 =	sld [smem:$0x3FDB];
	_ =	sdelay $0x1  }
0x99: {  	s4 =	simm.s32 $_scs_section_size  }
0x9a: {  	s5 =	simm.s32 $_size__tile_overlayer_lowered;
	s6 =	simm.s32 $_tile_overlayer_lowered  }
0x9b: {  	s22 =	simm.s32 $0x1BFF;
	s21 =	sshll.u32 s6, $0x1;
	s3 =	sadd.s32 s4, s19  }
0x9c: {  	s7 =	simm.s32 $0x0;
	s20 =	sshll.u32 s5, $0x1;
	s5 =	sadd.s32 s21, s3  }
0x9d: {  	[timem:s7], [sflag:s22] =	dma.local [hbm:s5], s20  }
0x9e: {  	_ =	swait.ge [sflag:s22], s20  }
0x9f: {  	s4 =	ssub.s32 $0x0, s20;
	[sflag:s22] =	ssyncset.done $0x0  }
0xa0: {  	[sflag:s22] =	ssyncadd.s32 s4;
	_ =	sdelay $0x1  }
0xa1: {  	s23 =	simm.s32 $0x1B8B  }
0xa2: {  	_ =	swait.ge [sflag:s23], $0x1  }
0xa3: {  	[sflag:s23] =	ssyncset.done $0x0  }
0xa4: {  	s25 =	simm.s32 $0x1B8E;
	s24 =	sld [smem:$0x3FFE];
	[sflag:s23] =	ssyncadd.s32 $0xFFFFFFFF  }
0xa5: {  	s26 =	simm.s32 $execute0_lowered;
	[smem:$0x3FD2] =	sst s25  }
0xa6: {  	s5 =	sshll.u32 s26, $0x1;
	_ =	strace $0x80000046;
	[dreg:$0x1] =	wrdreg $0xFFFFFFFF  }
0xa7: {  	s28 =	simm.s32 $_size_execute0_lowered;
	s3 =	sadd.s32 s3, s5;
	[dreg:$0x0] =	wrdreg $0x0  }
0xa8: {  	s5 =	sshll.u32 s28, $0x1;
	[dreg:$0x2] =	wrdreg s3  }
0xa9: {  	[dreg:$0x3] =	wrdreg s5  }
0xaa: {  	[dreg:$0x4] =	wrdreg $0xC0  }
0xab: {  	_ =	task [dreg:s7], $0x5FFFF  }
0xac: {  	[dreg:$0x1] =	wrdreg $0xFFFFFFFF  }
0xad: {  	[dreg:$0x0] =	wrdreg $0x60  }
0xae: {  	[dreg:$0x2] =	wrdreg s2  }
0xaf: {  	[dreg:$0x3] =	wrdreg s24  }
0xb0: {  	[dreg:$0x4] =	wrdreg $0x9  }
0xb1: {  	_ =	task.clear_ibuf [dreg:s7], $0x5FFFF;
	_ =	strace $0x90000046  }
0xb2: {  	s29 =	simm.s32 $0x9;
	_ =	strace $0x80000048  }
0xb3: {  	_ =	swait.ge [sflag:s29], $0x1  }
0xb4: {  	[sflag:s29] =	ssyncadd.s32 $0xFFFFFFFF  }
0xb5: {  	_ =	strace $0x90000048  }
0xb6: {  	_ =	sfence  }
0xb7: {  	s30 =	sld [smem:$0x0];
	_ =	sdelay $0x2  }
0xb8: {  	s31 =	sshll.u32 s1, $0xD;
	s1 =	sshrl.u32 s1, $0x2  }
0xb9: {  	s3 =	sand.u32 $0x4000, s31;
	s1 =	sadd.s32 s1, s30  }
0xba: {  	s0 =	sor.u32 s3, s0;
	s1 =	sshll.u32 s1, $0x11  }
0xbb: {  	s0 =	sor.u32 s1, s0  }
0xbc: {  	s0 =	sadd.s32 $0x8F2B, s0  }
0xbd: {  	[sflag:s0] =	ssyncadd.remote.s32 $0x1  }
0xbe: {  	_ =	sfence.sel $0xFFFF  }
0xbf: {  	[dreg:$0x0] =	wrdreg $0xFFFFFFFF;
	(pc) =	sbr.abs _section_cstart, $3  }
0xc0: {  	[dreg:$0x1] =	wrdreg $0xFFFFFFFF  }
0xc1: {  	_ =	task.clear_ibuf [dreg:s7], $0x2FFFF;
	_ =	strace $0x9FFFFFFF  }
0xc2: {  	(tm) =	ssettm $0x7FFFFFFF  }
0xc3: {  	_ =	shalt  }
tec
execute0_lowered:
.L_overlay_start_1:
0x0: {  	(tag) =	ssettag $0x1  }
0x1: {  	s0 =	stileid.u32  }
0x2: {  	s3 =	rddreg [dreg:$0x0];
	s1 =	srdreg.scid  }
0x3: {  	s4 =	rddreg [dreg:$0x1];
	s9 =	simm.s32 $0x2;
	s10 =	simm.s32 $0x0  }
0x4: {  	s2 =	sshll.u32 s0, $0x1;
	s5 =	sand.u32 $0x1, s1;
	s7 =	sshll.u32 s0, $0x7  }
0x5: {  	s1 =	rddreg [dreg:$0x2];
	s2 =	sand.u32 $0xE, s2;
	s7 =	sand.u32 $0x400, s7  }
0x6: {  	s6 =	sor.u32 s5, s2;
	s2 =	simm.s32 $0x0;
	s5 =	ssub.s32 $0x2, s5  }
0x7: {  	s8 =	sshll.u32 s6, $0x10;
	[smem:$0x7FF] =	sst s2;
	s6 =	sor.u32 s7, s6  }
0x8: {  	s30 =	sshrl.u32 s5, $0x1;
	s8 =	sxor.u32 $0xF0000, s8;
	_ =	strace $0x80000047  }
0x9: {  	s6 =	sshll.u32 s6, $0x8;
	s5 =	ssub.s32 s5, s30;
	s8 =	ssub.s32 s8, s7  }
0xa: {  	s6 =	sadd.s32 s6, s4;
	s4 =	smax.u32 s5, $0x1;
	s8 =	sadd.s32 $0x400, s8  }
0xb: {  	s7 =	simm.s32 $0x1000;
	s5 =	sadd.s32 $0x400, s6;
	s31 =	sshrl.u32 s8, $0x3  }
0xc: {  	s6 =	simm.s32 $0xBF0;
	s8 =	simm.s32 $0x1;
	s3 =	sadd.s32 s3, s31  }
.LBB2_1:
0xd: {  	[tilespmem:s2], [sflag:$0x1] =	stream.strided.gather [hbm4b:s3+s6], $0xBF00, s7, s6, $0x38;
	[tilespmem:$0xBF00] =	vst v63  }
0xe: {  	_ =	swait.ge [sflag:s8], $0xBF00  }
0xf: {  	[sflag:s8] =	ssyncset.done $0x0  }
0x10: {  	s11 =	simm.s32 $0x3F0;
	[sflag:s8] =	ssyncadd.s32 $0xFFFF4100  }
0x11: {  	[hbm4b:s5+s2] =	stream.linear.scatter [tilespmem:s11], [sflag:$0x2], $0x800, $0x38;
	[tilespmem:$0xBF00] =	vst v63  }
0x12: {  	s22 =	simm.s32 $0xFE0;
	s12 =	sadd.s32 $0x80000, s5  }
0x13: {  	[hbm4b:s12+s2] =	stream.linear.scatter [tilespmem:s22], [sflag:$0x2], $0x800, $0x38;
	[tilespmem:$0xBF00] =	vst v63  }
0x14: {  	s23 =	simm.s32 $0x1BD0;
	s24 =	sadd.s32 $0x100000, s5  }
0x15: {  	[hbm4b:s24+s2] =	stream.linear.scatter [tilespmem:s23], [sflag:$0x2], $0x800, $0x38;
	[tilespmem:$0xBF00] =	vst v63  }
0x16: {  	s25 =	simm.s32 $0x27C0;
	s26 =	sadd.s32 $0x180000, s5  }
0x17: {  	[hbm4b:s26+s2] =	stream.linear.scatter [tilespmem:s25], [sflag:$0x2], $0x800, $0x38;
	[tilespmem:$0xBF00] =	vst v63  }
0x18: {  	s28 =	simm.s32 $0x33B0;
	s29 =	sadd.s32 $0x200000, s5  }
0x19: {  	[hbm4b:s29+s2] =	stream.linear.scatter [tilespmem:s28], [sflag:$0x2], $0x800, $0x38;
	[tilespmem:$0xBF00] =	vst v63  }
0x1a: {  	s30 =	simm.s32 $0x3FA0;
	s31 =	sadd.s32 $0x280000, s5  }
0x1b: {  	[hbm4b:s31+s2] =	stream.linear.scatter [tilespmem:s30], [sflag:$0x2], $0x800, $0x38;
	[tilespmem:$0xBF00] =	vst v63  }
0x1c: {  	s13 =	simm.s32 $0x4B90;
	s14 =	sadd.s32 $0x300000, s5  }
0x1d: {  	[hbm4b:s14+s2] =	stream.linear.scatter [tilespmem:s13], [sflag:$0x2], $0x800, $0x38;
	[tilespmem:$0xBF00] =	vst v63  }
0x1e: {  	s15 =	simm.s32 $0x5780;
	s16 =	sadd.s32 $0x380000, s5  }
0x1f: {  	[hbm4b:s16+s2] =	stream.linear.scatter [tilespmem:s15], [sflag:$0x2], $0x800, $0x38;
	[tilespmem:$0xBF00] =	vst v63  }
0x20: {  	s17 =	simm.s32 $0x6370;
	s18 =	sadd.s32 $0x400000, s5  }
0x21: {  	[hbm4b:s18+s2] =	stream.linear.scatter [tilespmem:s17], [sflag:$0x2], $0x800, $0x38;
	[tilespmem:$0xBF00] =	vst v63  }
0x22: {  	s19 =	simm.s32 $0x6F60;
	s20 =	sadd.s32 $0x480000, s5  }
0x23: {  	[hbm4b:s20+s2] =	stream.linear.scatter [tilespmem:s19], [sflag:$0x2], $0x800, $0x38;
	[tilespmem:$0xBF00] =	vst v63  }
0x24: {  	s21 =	simm.s32 $0x7B50;
	s11 =	simm.s32 $0xFFFFFFF0;
	s22 =	sadd.s32 $0x500000, s5  }
0x25: {  	[hbm4b:s22+s2] =	stream.linear.scatter [tilespmem:s21], [sflag:$0x2], $0x800, $0x38;
	[tilespmem:$0xBF00] =	vst v63  }
0x26: {  	s12 =	sadd.s32 $0x1000, s5;
	s23 =	simm.s32 $0x8740;
	s24 =	sadd.s32 $0x580000, s5  }
0x27: {  	[hbm4b:s24+s2] =	stream.linear.scatter [tilespmem:s23], [sflag:$0x2], $0x800, $0x38;
	[tilespmem:$0xBF00] =	vst v63  }
0x28: {  	s25 =	simm.s32 $0x9330;
	s26 =	sadd.s32 $0x600000, s5;
	s28 =	simm.s32 $0x9F20  }
0x29: {  	[hbm4b:s26+s2] =	stream.linear.scatter [tilespmem:s25], [sflag:$0x2], $0x800, $0x38;
	[tilespmem:$0xBF00] =	vst v63  }
0x2a: {  	s29 =	sadd.s32 $0x680000, s5;
	s30 =	simm.s32 $0xAB10;
	s31 =	sadd.s32 $0x700000, s5  }
0x2b: {  	[hbm4b:s29+s2] =	stream.linear.scatter [tilespmem:s28], [sflag:$0x2], $0x800, $0x38;
	[tilespmem:$0xBF00] =	vst v63  }
0x2c: {  	s13 =	simm.s32 $0xB700;
	s15 =	simm.s32 $0xFFFFFF80;
	s16 =	sadd.s32 $0x780000, s5  }
0x2d: {  	[hbm4b:s31+s2] =	stream.linear.scatter [tilespmem:s30], [sflag:$0x2], $0x800, $0x38;
	[tilespmem:$0xBF00] =	vst v63  }
.LBB2_2:
0x2e: {  	[hbm4b:s16+s2] =	stream.linear.scatter [tilespmem:s13], [sflag:$0x2], $0x800, $0x38;
	[tilespmem:$0xBF00] =	vst v63  }
0x2f: {  	s13 =	smov.u32 s11;
	s11 =	smov.u32 s15  }
0x30: {  	s14 =	sadd.s32 $0xFFFFFFC0, s15;
	s11 =	sshra.s32 s11, $0x2;
	s16 =	sadd.s32 $0x3F0, s13  }
0x31: {  	[hbm4b:s12+s2] =	stream.linear.scatter [tilespmem:s16], [sflag:$0x2], $0x800, $0x38;
	[tilespmem:$0xBF00] =	vst v63  }
0x32: {  	p0 =	sne.s32 s15, $0xFFFFF040;
	s15 =	sadd.s32 $0xFE0, s13;
	s16 =	sadd.s32 $0x80000, s12  }
0x33: {  	[hbm4b:s16+s2] =	stream.linear.scatter [tilespmem:s15], [sflag:$0x2], $0x800, $0x38;
	[tilespmem:$0xBF00] =	vst v63  }
0x34: {  	s15 =	sadd.s32 $0x1BD0, s13;
	s16 =	sadd.s32 $0x100000, s12  }
0x35: {  	[hbm4b:s16+s2] =	stream.linear.scatter [tilespmem:s15], [sflag:$0x2], $0x800, $0x38;
	[tilespmem:$0xBF00] =	vst v63  }
0x36: {  	s15 =	sadd.s32 $0x27C0, s13;
	s16 =	sadd.s32 $0x180000, s12  }
0x37: {  	[hbm4b:s16+s2] =	stream.linear.scatter [tilespmem:s15], [sflag:$0x2], $0x800, $0x38;
	[tilespmem:$0xBF00] =	vst v63  }
0x38: {  	s15 =	sadd.s32 $0x33B0, s13;
	s16 =	sadd.s32 $0x200000, s12  }
0x39: {  	[hbm4b:s16+s2] =	stream.linear.scatter [tilespmem:s15], [sflag:$0x2], $0x800, $0x38;
	[tilespmem:$0xBF00] =	vst v63  }
0x3a: {  	s15 =	sadd.s32 $0x3FA0, s13;
	s16 =	sadd.s32 $0x280000, s12  }
0x3b: {  	[hbm4b:s16+s2] =	stream.linear.scatter [tilespmem:s15], [sflag:$0x2], $0x800, $0x38;
	[tilespmem:$0xBF00] =	vst v63  }
0x3c: {  	s15 =	sadd.s32 $0x4B90, s13;
	s16 =	sadd.s32 $0x300000, s12  }
0x3d: {  	[hbm4b:s16+s2] =	stream.linear.scatter [tilespmem:s15], [sflag:$0x2], $0x800, $0x38;
	[tilespmem:$0xBF00] =	vst v63  }
0x3e: {  	s15 =	sadd.s32 $0x5780, s13;
	s16 =	sadd.s32 $0x380000, s12  }
0x3f: {  	[hbm4b:s16+s2] =	stream.linear.scatter [tilespmem:s15], [sflag:$0x2], $0x800, $0x38;
	[tilespmem:$0xBF00] =	vst v63  }
0x40: {  	s15 =	sadd.s32 $0x6370, s13;
	s16 =	sadd.s32 $0x400000, s12  }
0x41: {  	[hbm4b:s16+s2] =	stream.linear.scatter [tilespmem:s15], [sflag:$0x2], $0x800, $0x38;
	[tilespmem:$0xBF00] =	vst v63  }
0x42: {  	s15 =	sadd.s32 $0x6F60, s13;
	s16 =	sadd.s32 $0x480000, s12  }
0x43: {  	[hbm4b:s16+s2] =	stream.linear.scatter [tilespmem:s15], [sflag:$0x2], $0x800, $0x38;
	[tilespmem:$0xBF00] =	vst v63  }
0x44: {  	s15 =	sadd.s32 $0x7B50, s13;
	s16 =	sadd.s32 $0x500000, s12  }
0x45: {  	[hbm4b:s16+s2] =	stream.linear.scatter [tilespmem:s15], [sflag:$0x2], $0x800, $0x38;
	[tilespmem:$0xBF00] =	vst v63  }
0x46: {  	s15 =	sadd.s32 $0x8740, s13;
	s16 =	sadd.s32 $0x580000, s12  }
0x47: {  	[hbm4b:s16+s2] =	stream.linear.scatter [tilespmem:s15], [sflag:$0x2], $0x800, $0x38;
	[tilespmem:$0xBF00] =	vst v63  }
0x48: {  	s15 =	sadd.s32 $0x9330, s13;
	s16 =	sadd.s32 $0x600000, s12  }
0x49: {  	[hbm4b:s16+s2] =	stream.linear.scatter [tilespmem:s15], [sflag:$0x2], $0x800, $0x38;
	[tilespmem:$0xBF00] =	vst v63  }
.Ltmp0:
0x4a: {  	s15 =	sadd.s32 $0x9F20, s13;
	s16 =	sadd.s32 $0x680000, s12;
	(pc) =	sbr.rel @p0 .LBB2_2-.Ltmp0, $4  }
0x4b: {  	[hbm4b:s16+s2] =	stream.linear.scatter [tilespmem:s15], [sflag:$0x2], $0x800, $0x38;
	[tilespmem:$0xBF00] =	vst v63  }
0x4c: {  	s15 =	sadd.s32 $0xAB10, s13;
	s16 =	sadd.s32 $0x700000, s12;
	s13 =	sadd.s32 $0xB700, s13  }
0x4d: {  	[hbm4b:s16+s2] =	stream.linear.scatter [tilespmem:s15], [sflag:$0x2], $0x800, $0x38;
	[tilespmem:$0xBF00] =	vst v63  }
0x4e: {  	s16 =	sadd.s32 $0x780000, s12;
	s12 =	sadd.s32 $0x1000, s12;
	s15 =	smov.u32 s14  }
0x4f: {  	[hbm4b:s16+s2] =	stream.linear.scatter [tilespmem:s13], [sflag:$0x2], $0x800, $0x38;
	[tilespmem:$0xBF00] =	vst v63  }
0x50: {  	s17 =	sadd.s32 $0x3F0, s11  }
0x51: {  	[hbm4b:s12+s2] =	stream.linear.scatter [tilespmem:s17], [sflag:$0x2], $0x800, $0x38;
	[tilespmem:$0xBF00] =	vst v63  }
0x52: {  	s18 =	sadd.s32 $0xFE0, s11;
	s14 =	sadd.s32 $0x80000, s12  }
0x53: {  	[hbm4b:s14+s2] =	stream.linear.scatter [tilespmem:s18], [sflag:$0x2], $0x800, $0x38;
	[tilespmem:$0xBF00] =	vst v63  }
0x54: {  	s19 =	sadd.s32 $0x1BD0, s11;
	s20 =	sadd.s32 $0x100000, s12  }
0x55: {  	[hbm4b:s20+s2] =	stream.linear.scatter [tilespmem:s19], [sflag:$0x2], $0x800, $0x38;
	[tilespmem:$0xBF00] =	vst v63  }
0x56: {  	s21 =	sadd.s32 $0x27C0, s11;
	s22 =	sadd.s32 $0x180000, s12  }
0x57: {  	[hbm4b:s22+s2] =	stream.linear.scatter [tilespmem:s21], [sflag:$0x2], $0x800, $0x38;
	[tilespmem:$0xBF00] =	vst v63  }
0x58: {  	s23 =	sadd.s32 $0x33B0, s11;
	s24 =	sadd.s32 $0x200000, s12  }
0x59: {  	[hbm4b:s24+s2] =	stream.linear.scatter [tilespmem:s23], [sflag:$0x2], $0x800, $0x38;
	[tilespmem:$0xBF00] =	vst v63  }
0x5a: {  	s25 =	sadd.s32 $0x3FA0, s11;
	s26 =	sadd.s32 $0x280000, s12  }
0x5b: {  	[hbm4b:s26+s2] =	stream.linear.scatter [tilespmem:s25], [sflag:$0x2], $0x800, $0x38;
	[tilespmem:$0xBF00] =	vst v63  }
0x5c: {  	s28 =	sadd.s32 $0x4B90, s11;
	s29 =	sadd.s32 $0x300000, s12  }
0x5d: {  	[hbm4b:s29+s2] =	stream.linear.scatter [tilespmem:s28], [sflag:$0x2], $0x800, $0x38;
	[tilespmem:$0xBF00] =	vst v63  }
0x5e: {  	s30 =	sadd.s32 $0x5780, s11;
	s31 =	sadd.s32 $0x380000, s12  }
0x5f: {  	[hbm4b:s31+s2] =	stream.linear.scatter [tilespmem:s30], [sflag:$0x2], $0x800, $0x38;
	[tilespmem:$0xBF00] =	vst v63  }
0x60: {  	s15 =	sadd.s32 $0x6370, s11;
	s16 =	sadd.s32 $0x400000, s12  }
0x61: {  	[hbm4b:s16+s2] =	stream.linear.scatter [tilespmem:s15], [sflag:$0x2], $0x800, $0x38;
	[tilespmem:$0xBF00] =	vst v63  }
0x62: {  	s17 =	sadd.s32 $0x6F60, s11;
	s18 =	sadd.s32 $0x480000, s12  }
0x63: {  	[hbm4b:s18+s2] =	stream.linear.scatter [tilespmem:s17], [sflag:$0x2], $0x800, $0x38;
	[tilespmem:$0xBF00] =	vst v63  }
0x64: {  	s19 =	sadd.s32 $0x7B50, s11;
	s20 =	sadd.s32 $0x500000, s12  }
0x65: {  	[hbm4b:s20+s2] =	stream.linear.scatter [tilespmem:s19], [sflag:$0x2], $0x800, $0x38;
	[tilespmem:$0xBF00] =	vst v63  }
0x66: {  	s21 =	sadd.s32 $0x8740, s11;
	s22 =	sadd.s32 $0x580000, s12  }
0x67: {  	[hbm4b:s22+s2] =	stream.linear.scatter [tilespmem:s21], [sflag:$0x2], $0x800, $0x38;
	[tilespmem:$0xBF00] =	vst v63  }
0x68: {  	s23 =	sadd.s32 $0x9330, s11;
	s24 =	sadd.s32 $0x600000, s12  }
0x69: {  	[hbm4b:s24+s2] =	stream.linear.scatter [tilespmem:s23], [sflag:$0x2], $0x800, $0x38;
	[tilespmem:$0xBF00] =	vst v63  }
0x6a: {  	s10 =	sadd.s32 $0x1, s10;
	s25 =	sadd.s32 $0x9F20, s11;
	s26 =	sadd.s32 $0x680000, s12  }
0x6b: {  	[hbm4b:s26+s2] =	stream.linear.scatter [tilespmem:s25], [sflag:$0x2], $0x800, $0x38;
	[tilespmem:$0xBF00] =	vst v63  }
0x6c: {  	p0 =	sne.s32 s10, s4;
	s28 =	sadd.s32 $0xAB10, s11;
	s29 =	sadd.s32 $0x700000, s12  }
0x6d: {  	[hbm4b:s29+s2] =	stream.linear.scatter [tilespmem:s28], [sflag:$0x2], $0x800, $0x38;
	[tilespmem:$0xBF00] =	vst v63  }
.Ltmp1:
0x6e: {  	s30 =	sadd.s32 $0xB700, s11;
	s31 =	sadd.s32 $0x780000, s12;
	(pc) =	sbr.rel @p0 .LBB2_1-.Ltmp1, $4  }
0x6f: {  	[hbm4b:s31+s2] =	stream.linear.scatter [tilespmem:s30], [sflag:$0x2], $0x800, $0x38;
	[tilespmem:$0xBF00] =	vst v63  }
0x70: {  	_ =	swait.ge [sflag:s9], $0x40000  }
0x71: {  	[sflag:s9] =	ssyncset.done $0x0  }
0x72: {  	[sflag:s9] =	ssyncadd.s32 $0xFFFC0000  }
0x73: {  	_ =	sfence.sel $0x180000  }
0x74: {  	[bflag:$0x0] =	sbarrier.arrive $0xFFFF  }
0x75: {  	p0 =	sne.s32 s0, $0x0;
	_ =	strace $0x90000047  }
0x76: {  	s0 =	sadd.s32 @!p0 $0x100000, s1;
	[bflag:$0x2] =	sbarrier.arrive $0xFFFF  }
0x77: {  	[sflag:s0] =	ssyncadd.tile.s32 @!p0 $0x1;
	_ =	shalt  }
.Lfunc_end2:
_tile_overlayer_lowered:
.L_overlay_start_2:
0x78: {  	(tag) =	ssettag $0x2  }
0x79: {  	s0 =	rddreg [dreg:$0x0];
	s2 =	stileid.u32  }
0x7a: {  	s1 =	rddreg [dreg:$0x1];
	p0 =	sne.s32 s2, $0x0  }
0x7b: {  	s3 =	rddreg [dreg:$0x2];
	[bflag:$0x3] =	sbarrier.arrive $0xFFFF;
	s2 =	simm.s32 @!p0 $0x1C03  }
0x7c: {  	[timem:s3], [sflag:s2] =	dma.local @!p0 [hbm:s0], s1  }
0x7d: {  	s0 =	simm.s32 @!p0 $0x3  }
0x7e: {  	_ =	swait.ge @!p0 [sflag:s0], s1  }
0x7f: {  	s1 =	ssub.s32 @!p0 $0x0, s1;
	[sflag:s0] =	ssyncset.done @!p0 $0x0  }
0x80: {  	[sflag:s0] =	ssyncadd.s32 @!p0 s1  }
0x81: {  	[bflag:$0x3] =	sbarrier.arrive $0xFFFF  }
0x82: {  	_ =	shalt  }

</sc_bundles>
